<compile_context>
chip_gen: v7x
topology: tpu7x:2x2x1
jax: 0.10.2.dev20260603
libtpu: 0.0.44.dev20260713+nightly
codegen_flags: <defaults>
</compile_context>

<pallas_src>
import jax
import jax.numpy as jnp
from jax import lax
from jax.experimental import pallas as pl
from jax.experimental.pallas import tpu as pltpu
from jax.experimental.pallas import tpu_sc as plsc


def _select_last_body(in_hbm, len_hbm, out_hbm, len_smem):
    pltpu.sync_copy(len_hbm, len_smem)
    for b in range(4):
        n = len_smem[b]
        row = jnp.where(n > 0, n - 1, 4095)
        pltpu.sync_copy(in_hbm.at[b, row], out_hbm.at[b])


def kernel(input_, lengths):
    B, T, D = input_.shape
    lens = lengths.astype(jnp.int32)
    mesh = plsc.ScalarSubcoreMesh(axis_name="c", num_cores=1)
    out = pl.kernel(
        _select_last_body,
        out_type=jax.ShapeDtypeStruct((B, D), input_.dtype),
        mesh=mesh,
        scratch_types=[
            pltpu.SMEM((4,), jnp.int32),
        ],
    )(input_, lens)
    return out[:, None, :]

# --- scband reference (transcript-rebuilt; emitter-appended) ---
"""Pipeline reference for scband-select-last-pooling-4209067950771 (READ-ONLY COPY).

The authoritative reference and input builder live on the scoring server;
editing this copy changes nothing except your own understanding.
"""

import jax, jax.numpy as jnp
import numpy as np


def setup_inputs(seed: int = 0) -> dict:
    key = jax.random.key(seed)
    k1, k2 = jax.random.split(key)
    input_ = jax.random.normal(k1, (4, 4096, 2048), dtype=jnp.float32)
    lengths = jax.random.randint(k2, (4,), 0, 4096, dtype=jnp.int64)
    return {"input_": input_, "lengths": lengths}


def reference(input_, lengths):
    # SelectLastPooling with batch_first=True; forward receives (input_, lengths) tuple.
    batch_size = input_.shape[0]
    seq_len_indices = lengths - 1  # index of last valid timestep per sequence
    batch_indices = jnp.arange(batch_size)
    out = input_[batch_indices, seq_len_indices]  # [B, D]
    return out[:, None, :]  # unsqueeze(dim=1) -> [B, 1, D]

if __name__ == "__main__":
    import jax
    _d = setup_inputs()
    print(jax.jit(kernel)(*tuple(_d.values())))

</pallas_src>

<mosaic_0001>
#map = affine_map<(d0) -> (0, 0, 0)>
#map1 = affine_map<(d0) -> (0)>
#map2 = affine_map<(d0) -> (0, 0)>
module attributes {stable_mosaic.version = 14 : i64} {
  func.func @_select_last_body(%arg0: i32, %arg1: memref<4x4096x2048xf32, #tpu.memory_space<hbm>>, %arg2: memref<4xi32, #tpu.memory_space<hbm>>, %arg3: memref<4x2048xf32, #tpu.memory_space<hbm>>, %arg4: memref<4xi32, #tpu.memory_space<smem>>) attributes {dimension_semantics = [#tpu.dimension_semantics<core_parallel>], iteration_bounds = array<i64: 1>, scalar_prefetch = 0 : i64, scratch_operands = 1 : i64, tpu.core_type = #tpu.core_type<sc_scalar_subcore>, window_params = [{transform_indices = #map}, {transform_indices = #map1}, {transform_indices = #map2}]} {
    "tpu.region"() ({
      %run_scoped3A_38 = tpu.sem_alloc : memref<!tpu.dma_semaphore, #tpu.memory_space<semaphore_mem>>
      tpu.enqueue_dma source(%arg2 : memref<4xi32, #tpu.memory_space<hbm>>) target(%arg4 : memref<4xi32, #tpu.memory_space<smem>>) target_semaphore(%run_scoped3A_38 : memref<!tpu.dma_semaphore, #tpu.memory_space<semaphore_mem>>)
      tpu.wait_dma2 semaphore(%run_scoped3A_38 : memref<!tpu.dma_semaphore, #tpu.memory_space<semaphore_mem>>) src(%arg2 : memref<4xi32, #tpu.memory_space<hbm>>) dst(%arg4 : memref<4xi32, #tpu.memory_space<smem>>)
      tpu.yield
    }) : () -> ()
    %get3A = arith.constant 0 : i32
    %get3A_0 = arith.index_cast %get3A : i32 to index
    %get3A_1 = memref.load %arg4[%get3A_0] : memref<4xi32, #tpu.memory_space<smem>>
    %gt3A = arith.constant 0 : i32
    %gt3A_2 = arith.cmpi sgt, %get3A_1, %gt3A : i32
    %sub3A = arith.constant 1 : i32
    %sub3A_3 = arith.subi %get3A_1, %sub3A : i32
    %jit3A = arith.constant 4095 : i32
    %select_n3A = arith.select %gt3A_2, %sub3A_3, %jit3A : i32
    %run_scoped3A = arith.constant 0 : i32
    %run_scoped3A_4 = arith.constant 0 : i32
    "tpu.region"() ({
      %run_scoped3A_38 = tpu.sem_alloc : memref<!tpu.dma_semaphore, #tpu.memory_space<semaphore_mem>>
      %dma_start3A = arith.constant 0 : i32
      %dma_start3A_39 = tpu.memref_slice %arg3[%run_scoped3A_4, %dma_start3A] : memref<4x2048xf32, #tpu.memory_space<hbm>> -> memref<1x2048xf32, #tpu.memory_space<hbm>>
      %dma_start3A_40 = tpu.memref_squeeze %dma_start3A_39 : memref<1x2048xf32, #tpu.memory_space<hbm>> -> memref<2048xf32, #tpu.memory_space<hbm>>
      %dma_start3A_41 = arith.constant 0 : i32
      %dma_start3A_42 = tpu.memref_slice %arg1[%run_scoped3A, %select_n3A, %dma_start3A_41] : memref<4x4096x2048xf32, #tpu.memory_space<hbm>> -> memref<1x1x2048xf32, #tpu.memory_space<hbm>>
      %dma_start3A_43 = tpu.memref_squeeze %dma_start3A_42 : memref<1x1x2048xf32, #tpu.memory_space<hbm>> -> memref<2048xf32, #tpu.memory_space<hbm>>
      tpu.enqueue_dma source(%dma_start3A_43 : memref<2048xf32, #tpu.memory_space<hbm>>) target(%dma_start3A_40 : memref<2048xf32, #tpu.memory_space<hbm>>) target_semaphore(%run_scoped3A_38 : memref<!tpu.dma_semaphore, #tpu.memory_space<semaphore_mem>>)
      %dma_wait3A = arith.constant 0 : i32
      %dma_wait3A_44 = tpu.memref_slice %arg3[%run_scoped3A_4, %dma_wait3A] : memref<4x2048xf32, #tpu.memory_space<hbm>> -> memref<1x2048xf32, #tpu.memory_space<hbm>>
      %dma_wait3A_45 = tpu.memref_squeeze %dma_wait3A_44 : memref<1x2048xf32, #tpu.memory_space<hbm>> -> memref<2048xf32, #tpu.memory_space<hbm>>
      %dma_wait3A_46 = arith.constant 0 : i32
      %dma_wait3A_47 = tpu.memref_slice %arg1[%run_scoped3A, %select_n3A, %dma_wait3A_46] : memref<4x4096x2048xf32, #tpu.memory_space<hbm>> -> memref<1x1x2048xf32, #tpu.memory_space<hbm>>
      %dma_wait3A_48 = tpu.memref_squeeze %dma_wait3A_47 : memref<1x1x2048xf32, #tpu.memory_space<hbm>> -> memref<2048xf32, #tpu.memory_space<hbm>>
      tpu.wait_dma2 semaphore(%run_scoped3A_38 : memref<!tpu.dma_semaphore, #tpu.memory_space<semaphore_mem>>) src(%dma_wait3A_48 : memref<2048xf32, #tpu.memory_space<hbm>>) dst(%dma_wait3A_45 : memref<2048xf32, #tpu.memory_space<hbm>>)
      tpu.yield
    }) : () -> ()
    %get3A_5 = arith.constant 1 : i32
    %get3A_6 = arith.index_cast %get3A_5 : i32 to index
    %get3A_7 = memref.load %arg4[%get3A_6] : memref<4xi32, #tpu.memory_space<smem>>
    %gt3A_8 = arith.constant 0 : i32
    %gt3A_9 = arith.cmpi sgt, %get3A_7, %gt3A_8 : i32
    %sub3A_10 = arith.constant 1 : i32
    %sub3A_11 = arith.subi %get3A_7, %sub3A_10 : i32
    %jit3A_12 = arith.constant 4095 : i32
    %select_n3A_13 = arith.select %gt3A_9, %sub3A_11, %jit3A_12 : i32
    %run_scoped3A_14 = arith.constant 1 : i32
    %run_scoped3A_15 = arith.constant 1 : i32
    "tpu.region"() ({
      %run_scoped3A_38 = tpu.sem_alloc : memref<!tpu.dma_semaphore, #tpu.memory_space<semaphore_mem>>
      %dma_start3A = arith.constant 0 : i32
      %dma_start3A_39 = tpu.memref_slice %arg3[%run_scoped3A_15, %dma_start3A] : memref<4x2048xf32, #tpu.memory_space<hbm>> -> memref<1x2048xf32, #tpu.memory_space<hbm>>
      %dma_start3A_40 = tpu.memref_squeeze %dma_start3A_39 : memref<1x2048xf32, #tpu.memory_space<hbm>> -> memref<2048xf32, #tpu.memory_space<hbm>>
      %dma_start3A_41 = arith.constant 0 : i32
      %dma_start3A_42 = tpu.memref_slice %arg1[%run_scoped3A_14, %select_n3A_13, %dma_start3A_41] : memref<4x4096x2048xf32, #tpu.memory_space<hbm>> -> memref<1x1x2048xf32, #tpu.memory_space<hbm>>
      %dma_start3A_43 = tpu.memref_squeeze %dma_start3A_42 : memref<1x1x2048xf32, #tpu.memory_space<hbm>> -> memref<2048xf32, #tpu.memory_space<hbm>>
      tpu.enqueue_dma source(%dma_start3A_43 : memref<2048xf32, #tpu.memory_space<hbm>>) target(%dma_start3A_40 : memref<2048xf32, #tpu.memory_space<hbm>>) target_semaphore(%run_scoped3A_38 : memref<!tpu.dma_semaphore, #tpu.memory_space<semaphore_mem>>)
      %dma_wait3A = arith.constant 0 : i32
      %dma_wait3A_44 = tpu.memref_slice %arg3[%run_scoped3A_15, %dma_wait3A] : memref<4x2048xf32, #tpu.memory_space<hbm>> -> memref<1x2048xf32, #tpu.memory_space<hbm>>
      %dma_wait3A_45 = tpu.memref_squeeze %dma_wait3A_44 : memref<1x2048xf32, #tpu.memory_space<hbm>> -> memref<2048xf32, #tpu.memory_space<hbm>>
      %dma_wait3A_46 = arith.constant 0 : i32
      %dma_wait3A_47 = tpu.memref_slice %arg1[%run_scoped3A_14, %select_n3A_13, %dma_wait3A_46] : memref<4x4096x2048xf32, #tpu.memory_space<hbm>> -> memref<1x1x2048xf32, #tpu.memory_space<hbm>>
      %dma_wait3A_48 = tpu.memref_squeeze %dma_wait3A_47 : memref<1x1x2048xf32, #tpu.memory_space<hbm>> -> memref<2048xf32, #tpu.memory_space<hbm>>
      tpu.wait_dma2 semaphore(%run_scoped3A_38 : memref<!tpu.dma_semaphore, #tpu.memory_space<semaphore_mem>>) src(%dma_wait3A_48 : memref<2048xf32, #tpu.memory_space<hbm>>) dst(%dma_wait3A_45 : memref<2048xf32, #tpu.memory_space<hbm>>)
      tpu.yield
    }) : () -> ()
    %get3A_16 = arith.constant 2 : i32
    %get3A_17 = arith.index_cast %get3A_16 : i32 to index
    %get3A_18 = memref.load %arg4[%get3A_17] : memref<4xi32, #tpu.memory_space<smem>>
    %gt3A_19 = arith.constant 0 : i32
    %gt3A_20 = arith.cmpi sgt, %get3A_18, %gt3A_19 : i32
    %sub3A_21 = arith.constant 1 : i32
    %sub3A_22 = arith.subi %get3A_18, %sub3A_21 : i32
    %jit3A_23 = arith.constant 4095 : i32
    %select_n3A_24 = arith.select %gt3A_20, %sub3A_22, %jit3A_23 : i32
    %run_scoped3A_25 = arith.constant 2 : i32
    %run_scoped3A_26 = arith.constant 2 : i32
    "tpu.region"() ({
      %run_scoped3A_38 = tpu.sem_alloc : memref<!tpu.dma_semaphore, #tpu.memory_space<semaphore_mem>>
      %dma_start3A = arith.constant 0 : i32
      %dma_start3A_39 = tpu.memref_slice %arg3[%run_scoped3A_26, %dma_start3A] : memref<4x2048xf32, #tpu.memory_space<hbm>> -> memref<1x2048xf32, #tpu.memory_space<hbm>>
      %dma_start3A_40 = tpu.memref_squeeze %dma_start3A_39 : memref<1x2048xf32, #tpu.memory_space<hbm>> -> memref<2048xf32, #tpu.memory_space<hbm>>
      %dma_start3A_41 = arith.constant 0 : i32
      %dma_start3A_42 = tpu.memref_slice %arg1[%run_scoped3A_25, %select_n3A_24, %dma_start3A_41] : memref<4x4096x2048xf32, #tpu.memory_space<hbm>> -> memref<1x1x2048xf32, #tpu.memory_space<hbm>>
      %dma_start3A_43 = tpu.memref_squeeze %dma_start3A_42 : memref<1x1x2048xf32, #tpu.memory_space<hbm>> -> memref<2048xf32, #tpu.memory_space<hbm>>
      tpu.enqueue_dma source(%dma_start3A_43 : memref<2048xf32, #tpu.memory_space<hbm>>) target(%dma_start3A_40 : memref<2048xf32, #tpu.memory_space<hbm>>) target_semaphore(%run_scoped3A_38 : memref<!tpu.dma_semaphore, #tpu.memory_space<semaphore_mem>>)
      %dma_wait3A = arith.constant 0 : i32
      %dma_wait3A_44 = tpu.memref_slice %arg3[%run_scoped3A_26, %dma_wait3A] : memref<4x2048xf32, #tpu.memory_space<hbm>> -> memref<1x2048xf32, #tpu.memory_space<hbm>>
      %dma_wait3A_45 = tpu.memref_squeeze %dma_wait3A_44 : memref<1x2048xf32, #tpu.memory_space<hbm>> -> memref<2048xf32, #tpu.memory_space<hbm>>
      %dma_wait3A_46 = arith.constant 0 : i32
      %dma_wait3A_47 = tpu.memref_slice %arg1[%run_scoped3A_25, %select_n3A_24, %dma_wait3A_46] : memref<4x4096x2048xf32, #tpu.memory_space<hbm>> -> memref<1x1x2048xf32, #tpu.memory_space<hbm>>
      %dma_wait3A_48 = tpu.memref_squeeze %dma_wait3A_47 : memref<1x1x2048xf32, #tpu.memory_space<hbm>> -> memref<2048xf32, #tpu.memory_space<hbm>>
      tpu.wait_dma2 semaphore(%run_scoped3A_38 : memref<!tpu.dma_semaphore, #tpu.memory_space<semaphore_mem>>) src(%dma_wait3A_48 : memref<2048xf32, #tpu.memory_space<hbm>>) dst(%dma_wait3A_45 : memref<2048xf32, #tpu.memory_space<hbm>>)
      tpu.yield
    }) : () -> ()
    %get3A_27 = arith.constant 3 : i32
    %get3A_28 = arith.index_cast %get3A_27 : i32 to index
    %get3A_29 = memref.load %arg4[%get3A_28] : memref<4xi32, #tpu.memory_space<smem>>
    %gt3A_30 = arith.constant 0 : i32
    %gt3A_31 = arith.cmpi sgt, %get3A_29, %gt3A_30 : i32
    %sub3A_32 = arith.constant 1 : i32
    %sub3A_33 = arith.subi %get3A_29, %sub3A_32 : i32
    %jit3A_34 = arith.constant 4095 : i32
    %select_n3A_35 = arith.select %gt3A_31, %sub3A_33, %jit3A_34 : i32
    %run_scoped3A_36 = arith.constant 3 : i32
    %run_scoped3A_37 = arith.constant 3 : i32
    "tpu.region"() ({
      %run_scoped3A_38 = tpu.sem_alloc : memref<!tpu.dma_semaphore, #tpu.memory_space<semaphore_mem>>
      %dma_start3A = arith.constant 0 : i32
      %dma_start3A_39 = tpu.memref_slice %arg3[%run_scoped3A_37, %dma_start3A] : memref<4x2048xf32, #tpu.memory_space<hbm>> -> memref<1x2048xf32, #tpu.memory_space<hbm>>
      %dma_start3A_40 = tpu.memref_squeeze %dma_start3A_39 : memref<1x2048xf32, #tpu.memory_space<hbm>> -> memref<2048xf32, #tpu.memory_space<hbm>>
      %dma_start3A_41 = arith.constant 0 : i32
      %dma_start3A_42 = tpu.memref_slice %arg1[%run_scoped3A_36, %select_n3A_35, %dma_start3A_41] : memref<4x4096x2048xf32, #tpu.memory_space<hbm>> -> memref<1x1x2048xf32, #tpu.memory_space<hbm>>
      %dma_start3A_43 = tpu.memref_squeeze %dma_start3A_42 : memref<1x1x2048xf32, #tpu.memory_space<hbm>> -> memref<2048xf32, #tpu.memory_space<hbm>>
      tpu.enqueue_dma source(%dma_start3A_43 : memref<2048xf32, #tpu.memory_space<hbm>>) target(%dma_start3A_40 : memref<2048xf32, #tpu.memory_space<hbm>>) target_semaphore(%run_scoped3A_38 : memref<!tpu.dma_semaphore, #tpu.memory_space<semaphore_mem>>)
      %dma_wait3A = arith.constant 0 : i32
      %dma_wait3A_44 = tpu.memref_slice %arg3[%run_scoped3A_37, %dma_wait3A] : memref<4x2048xf32, #tpu.memory_space<hbm>> -> memref<1x2048xf32, #tpu.memory_space<hbm>>
      %dma_wait3A_45 = tpu.memref_squeeze %dma_wait3A_44 : memref<1x2048xf32, #tpu.memory_space<hbm>> -> memref<2048xf32, #tpu.memory_space<hbm>>
      %dma_wait3A_46 = arith.constant 0 : i32
      %dma_wait3A_47 = tpu.memref_slice %arg1[%run_scoped3A_36, %select_n3A_35, %dma_wait3A_46] : memref<4x4096x2048xf32, #tpu.memory_space<hbm>> -> memref<1x1x2048xf32, #tpu.memory_space<hbm>>
      %dma_wait3A_48 = tpu.memref_squeeze %dma_wait3A_47 : memref<1x1x2048xf32, #tpu.memory_space<hbm>> -> memref<2048xf32, #tpu.memory_space<hbm>>
      tpu.wait_dma2 semaphore(%run_scoped3A_38 : memref<!tpu.dma_semaphore, #tpu.memory_space<semaphore_mem>>) src(%dma_wait3A_48 : memref<2048xf32, #tpu.memory_space<hbm>>) dst(%dma_wait3A_45 : memref<2048xf32, #tpu.memory_space<hbm>>)
      tpu.yield
    }) : () -> ()
    return
  }
}

</mosaic_0001>

<sc_bundles>
// kernel: kernel.3.cloned.1.call-start
scs
__scs_entry_jumppad:
0x0: {  	(pc) =	sbr.rel $0x88, $3  }
0x1: {  	(tag) =	ssettag $0x0;
	lr =	simm.s32 $0x1  }
0x2: {  	[smem:$0x3F9F] =	sst lr;
	_ =	strace $0xD0000000  }
0x3: {  	_ = 	snop  }
0x4: {  	_ = 	snop  }
0x5: {  	_ = 	snop  }
0x6: {  	_ = 	snop  }
0x7: {  	_ = 	snop  }
__scs_overlays_trampoline_lowered:
0x8: {  	[smem:$0x3FAE] =	sst s0  }
0x9: {  	[smem:$0x3FAF] =	sst s1  }
0xa: {  	[smem:$0x3FB0] =	sst s2  }
0xb: {  	[smem:$0x3FB1] =	sst s3  }
0xc: {  	[smem:$0x3FB2] =	sst s4  }
0xd: {  	[smem:$0x3FB3] =	sst s5  }
0xe: {  	[smem:$0x3FB4] =	sst s6  }
0xf: {  	[smem:$0x3FB5] =	sst s7  }
0x10: {  	[smem:$0x3FB6] =	sst s8  }
0x11: {  	[smem:$0x3FB7] =	sst s9;
	s0 =	simm.s32 @!p0 $0x0  }
0x12: {  	s1 =	sld [smem:$0x3F9D];
	s0 =	simm.s32 @p0 $0x1  }
0x13: {  	[smem:$0x3FB8] =	sst s0;
	s0 =	simm.s32 @!p1 $0x0  }
0x14: {  	s2 =	sld [smem:$0x3F9C];
	s0 =	simm.s32 @p1 $0x1  }
0x15: {  	[smem:$0x3FB9] =	sst s0;
	s0 =	simm.s32 @!p2 $0x0  }
0x16: {  	s3 =	sld [smem:$0x3FDB];
	s0 =	simm.s32 @p2 $0x1  }
0x17: {  	s4 =	simm.s32 $0x1BF5;
	[smem:$0x3FBB] =	sst s0  }
0x18: {  	s0 =	sld [smem:$0x3F9E];
	_ =	swait.ge [sflag:s4], $0x0  }
0x19: {  	s7 =	sld [smem:$0x3F9F]  }
0x1a: {  	s8 =	sadd.s32 $0xFFFFE003, lr  }
0x1b: {  	s9 =	sadd.s32 $0xFFFFFEF7, lr;
	s5 =	simm.s32 $0xFFFFFFFF;
	p2 =	slt.u32 s8, $0xFFFFF086  }
0x1c: {  	p1 =	slt.u32 s9, $0xF7A;
	s5 =	simm.s32 @!p2 $0x0  }
0x1d: {  	s5 =	simm.s32 @p1 $0x1;
	p0 =	seq.s32 s7, s2  }
0x1e: {  	s7 =	smul.u32 @!p0 $0xF7A, s2;
	p2 =	seq.s32 @!p0 s5, $0x0  }
0x1f: {  	s9 =	smul.u32 $0xF7A, s1;
	s8 =	simm.s32 @!p0 $0x1BF5;
	p2 =	por !p2, p0  }
0x20: {  	[sflag:s8] =	ssyncset.s32 @!p0 $0xFFFFF086;
	s6 =	sadd.s32 @!p0 s3, s7;
	s7 =	simm.s32 @!p0 $0x108  }
0x21: {  	s3 =	sadd.s32 s3, s9;
	s6 =	sadd.s32 @!p0 $0x88, s6;
	s7 =	simm.s32 @p2 $0x1082  }
0x22: {  	[simem:s7], [sflag:s8] =	dma.local @!p0 [hbm:s6], $0xF7A  }
0x23: {  	s9 =	sor.u32 $0xD0000000, s2;
	s6 =	simm.s32 $0x108;
	_ =	swait.ge @!p0 [sflag:s8], $0x0  }
0x24: {  	s3 =	sadd.s32 $0x88, s3;
	s6 =	simm.s32 @!p1 $0x1082;
	[sflag:s4] =	ssyncset.s32 $0xFFFFF086  }
0x25: {  	[simem:s6], [sflag:s4] =	dma.local [hbm:s3], $0xF7A  }
0x26: {  	[smem:$0x3F9F] =	sst s1;
	(tag) =	ssettag s2;
	_ =	strace s9  }
0x27: {  	s1 =	sld [smem:$0x3FAF]  }
0x28: {  	s2 =	sld [smem:$0x3FB0]  }
0x29: {  	s4 =	sld [smem:$0x3FB2]  }
0x2a: {  	p0 =	seq.s32 s5, $0x0;
	s5 =	sld [smem:$0x3FB3]  }
0x2b: {  	s6 =	sld [smem:$0x3FB4]  }
0x2c: {  	s7 =	sld [smem:$0x3FB5]  }
0x2d: {  	s3 =	simm.s32 $0x108;
	s8 =	sld [smem:$0x3FB6]  }
0x2e: {  	s3 =	simm.s32 @!p0 $0x1082;
	s9 =	sld [smem:$0x3FB7]  }
0x2f: {  	lr =	sadd.s32 s0, s3;
	s0 =	sld [smem:$0x3FAE]  }
0x30: {  	s3 =	sld [smem:$0x3FB1]  }
0x31: {  	[smem:$0x3FBA] =	sst s10  }
0x32: {  	s10 =	sld [smem:$0x3FB8];
	_ =	sdelay $0x3  }
0x33: {  	p0 =	seq.s32 s10, $0x1;
	s10 =	sld [smem:$0x3FBA];
	_ =	sdelay $0x3  }
0x34: {  	[smem:$0x3FBA] =	sst s10  }
0x35: {  	s10 =	sld [smem:$0x3FB9];
	_ =	sdelay $0x3  }
0x36: {  	p1 =	seq.s32 s10, $0x1;
	s10 =	sld [smem:$0x3FBA];
	_ =	sdelay $0x3  }
0x37: {  	[smem:$0x3FBA] =	sst s10  }
0x38: {  	s10 =	sld [smem:$0x3FBB]  }
0x39: {  	_ = 	snop;
	(pc) =	sbr.ind lr, $3  }
0x3a: {  	_ = 	snop  }
0x3b: {  	_ = 	snop  }
0x3c: {  	p2 =	seq.s32 s10, $0x1;
	s10 =	sld [smem:$0x3FBA]  }
0x3d: {  	_ =	shalt  }
0x3e: {  	_ =	shalt  }
0x3f: {  	_ =	shalt  }
0x40: {  	_ =	shalt  }
0x41: {  	_ =	shalt  }
0x42: {  	_ =	shalt  }
0x43: {  	_ =	shalt  }
0x44: {  	_ =	shalt  }
0x45: {  	_ =	shalt  }
0x46: {  	_ =	shalt  }
0x47: {  	_ =	shalt  }
0x48: {  	_ =	shalt  }
0x49: {  	_ =	shalt  }
0x4a: {  	_ =	shalt  }
0x4b: {  	_ =	shalt  }
0x4c: {  	_ =	shalt  }
0x4d: {  	_ =	shalt  }
0x4e: {  	_ =	shalt  }
0x4f: {  	_ =	shalt  }
0x50: {  	_ =	shalt  }
0x51: {  	_ =	shalt  }
0x52: {  	_ =	shalt  }
0x53: {  	_ =	shalt  }
0x54: {  	_ =	shalt  }
0x55: {  	_ =	shalt  }
0x56: {  	_ =	shalt  }
0x57: {  	_ =	shalt  }
0x58: {  	_ =	shalt  }
0x59: {  	_ =	shalt  }
0x5a: {  	_ =	shalt  }
0x5b: {  	_ =	shalt  }
0x5c: {  	_ =	shalt  }
0x5d: {  	_ =	shalt  }
0x5e: {  	_ =	shalt  }
0x5f: {  	_ =	shalt  }
0x60: {  	_ =	shalt  }
0x61: {  	_ =	shalt  }
0x62: {  	_ =	shalt  }
0x63: {  	_ =	shalt  }
0x64: {  	_ =	shalt  }
0x65: {  	_ =	shalt  }
0x66: {  	_ =	shalt  }
0x67: {  	_ =	shalt  }
0x68: {  	_ =	shalt  }
0x69: {  	_ =	shalt  }
0x6a: {  	_ =	shalt  }
0x6b: {  	_ =	shalt  }
0x6c: {  	_ =	shalt  }
0x6d: {  	_ =	shalt  }
0x6e: {  	_ =	shalt  }
0x6f: {  	_ =	shalt  }
0x70: {  	_ =	shalt  }
0x71: {  	_ =	shalt  }
0x72: {  	_ =	shalt  }
0x73: {  	_ =	shalt  }
0x74: {  	_ =	shalt  }
0x75: {  	_ =	shalt  }
0x76: {  	_ =	shalt  }
0x77: {  	_ =	shalt  }
0x78: {  	_ =	shalt  }
0x79: {  	_ =	shalt  }
0x7a: {  	_ =	shalt  }
0x7b: {  	_ =	shalt  }
0x7c: {  	_ =	shalt  }
0x7d: {  	_ =	shalt  }
0x7e: {  	_ =	shalt  }
0x7f: {  	_ =	shalt  }
0x80: {  	_ =	shalt  }
0x81: {  	_ =	shalt  }
0x82: {  	_ =	shalt  }
0x83: {  	_ =	shalt  }
0x84: {  	_ =	shalt  }
0x85: {  	_ =	shalt  }
0x86: {  	_ =	shalt  }
0x87: {  	_ =	shalt  }
.Lfunc_end0:
.L_simem_size_0:
called_computation_lowered:
.L_overlay_start_0:
0x88: {  	s0 =	sld [smem:$0x3FD9]  }
0x89: {  	s1 =	sld [smem:$0x3FFE];
	_ =	sdelay $0x3  }
0x8a: {  	s0 =	sadd.s32 s1, s0  }
0x8b: {  	s11 =	simm.s32 $0x0;
	[smem:$0x3FC6] =	sst s0  }
0x8c: {  	[smem:$0xF] =	sst s11  }
0x8d: {  	s0 =	sld [smem:$0x3FC9]  }
0x8e: {  	s3 =	sld [smem:$0x3FC8];
	(tm) =	ssettm $0x1  }
0x8f: {  	s12 =	sld [smem:$0x3FFB];
	_ =	sdelay $0x3  }
0x90: {  	_ =	strace s12  }
0x91: {  	s1 =	sld [smem:$0x3FFC];
	_ =	sdelay $0x3  }
0x92: {  	_ =	strace s1  }
0x93: {  	s1 =	sld [smem:$0x3FFD];
	_ =	sdelay $0x3  }
0x94: {  	_ =	strace s1  }
0x95: {  	s13 =	simm.s32 $0x1B8B;
	_ =	strace $0x8FFFFFFF  }
0x96: {  	_ =	swait.ge [sflag:s13], $0x1  }
0x97: {  	[sflag:s13] =	ssyncset.done $0x0  }
0x98: {  	s14 =	simm.s32 $0x1B8E;
	[sflag:s13] =	ssyncadd.s32 $0xFFFFFFFF  }
0x99: {  	s15 =	simm.s32 $0x9;
	[smem:$0x3FD2] =	sst s14  }
0x9a: {  	s4 =	simm.s32 $0x10;
	s2 =	sld [smem:$0x3FFE];
	_ =	strace $0x80000046  }
0x9b: {  	[smem:s4], [sflag:s15] =	dma.local [hbm:s3], $0x10  }
0x9c: {  	_ =	swait.ge [sflag:s15], $0x10  }
0x9d: {  	[sflag:s15] =	ssyncset.done $0x0  }
0x9e: {  	[sflag:s15] =	ssyncadd.s32 $0xFFFFFFF0  }
0x9f: {  	s16 =	sld [smem:$0x10];
	_ =	sdelay $0x3  }
0xa0: {  	p0 =	sgt.s32 s16, $0x0;
	s3 =	sadd.s32 $0xFFFFFFFF, s16  }
0xa1: {  	s3 =	simm.s32 @!p0 $0xFFF  }
0xa2: {  	s17 =	sshll.u32 s3, $0xB;
	s3 =	sshll.u32 s3, $0x7  }
0xa3: {  	s4 =	sand.u32 $0xFFFFC000, s17;
	s3 =	sand.u32 $0x380, s3  }
0xa4: {  	s3 =	sor.u32 s3, s4  }
0xa5: {  	s5 =	simm.s32 $0x1;
	s6 =	simm.s32 $0x40;
	s3 =	sshrl.u32 s3, $0x3  }
0xa6: {  	s7 =	simm.s32 $0x80;
	s18 =	sadd.s32 $0x400, s2;
	s3 =	sadd.s32 s0, s3  }
0xa7: {  	[hbm:s18@s6], [sflag:s15] =	dma.strided [hbm:s3@s7], $0x100, s5, $0x10   }
0xa8: {  	_ =	swait.ge [sflag:s15], $0x100  }
0xa9: {  	[sflag:s15] =	ssyncset.done $0x0  }
0xaa: {  	[sflag:s15] =	ssyncadd.s32 $0xFFFFFF00  }
0xab: {  	s19 =	sld [smem:$0x11];
	_ =	sdelay $0x3  }
0xac: {  	p0 =	sgt.s32 s19, $0x0;
	s3 =	sadd.s32 $0xFFFFFFFF, s19  }
0xad: {  	s3 =	simm.s32 @!p0 $0xFFF  }
0xae: {  	s20 =	sshll.u32 s3, $0xB;
	s3 =	sshll.u32 s3, $0x7  }
0xaf: {  	s4 =	sand.u32 $0xFFFFC000, s20;
	s3 =	sand.u32 $0x380, s3  }
0xb0: {  	s3 =	sor.u32 s3, s4  }
0xb1: {  	s3 =	sadd.s32 $0x800000, s3  }
0xb2: {  	s3 =	sshrl.u32 s3, $0x3  }
0xb3: {  	s21 =	sadd.s32 $0x410, s2;
	s3 =	sadd.s32 s0, s3  }
0xb4: {  	[hbm:s21@s6], [sflag:s15] =	dma.strided [hbm:s3@s7], $0x100, s5, $0x10   }
0xb5: {  	_ =	swait.ge [sflag:s15], $0x100  }
0xb6: {  	[sflag:s15] =	ssyncset.done $0x0  }
0xb7: {  	[sflag:s15] =	ssyncadd.s32 $0xFFFFFF00  }
0xb8: {  	s22 =	sld [smem:$0x12];
	_ =	sdelay $0x3  }
0xb9: {  	p0 =	sgt.s32 s22, $0x0;
	s3 =	sadd.s32 $0xFFFFFFFF, s22  }
0xba: {  	s3 =	simm.s32 @!p0 $0xFFF  }
0xbb: {  	s23 =	sshll.u32 s3, $0xB;
	s3 =	sshll.u32 s3, $0x7  }
0xbc: {  	s4 =	sand.u32 $0xFFFFC000, s23;
	s3 =	sand.u32 $0x380, s3  }
0xbd: {  	s3 =	sor.u32 s3, s4  }
0xbe: {  	s3 =	sadd.s32 $0x1000000, s3  }
0xbf: {  	s3 =	sshrl.u32 s3, $0x3  }
0xc0: {  	s24 =	sadd.s32 $0x420, s2;
	s3 =	sadd.s32 s0, s3  }
0xc1: {  	[hbm:s24@s6], [sflag:s15] =	dma.strided [hbm:s3@s7], $0x100, s5, $0x10   }
0xc2: {  	_ =	swait.ge [sflag:s15], $0x100  }
0xc3: {  	[sflag:s15] =	ssyncset.done $0x0  }
0xc4: {  	[sflag:s15] =	ssyncadd.s32 $0xFFFFFF00  }
0xc5: {  	s25 =	sld [smem:$0x13];
	_ =	sdelay $0x3  }
0xc6: {  	p0 =	sgt.s32 s25, $0x0;
	s3 =	sadd.s32 $0xFFFFFFFF, s25  }
0xc7: {  	s3 =	simm.s32 @!p0 $0xFFF  }
0xc8: {  	s26 =	sshll.u32 s3, $0xB;
	s3 =	sshll.u32 s3, $0x7  }
0xc9: {  	s4 =	sand.u32 $0xFFFFC000, s26;
	s3 =	sand.u32 $0x380, s3  }
0xca: {  	s3 =	sor.u32 s3, s4  }
0xcb: {  	s3 =	sadd.s32 $0x1800000, s3  }
0xcc: {  	s3 =	sshrl.u32 s3, $0x3  }
0xcd: {  	s2 =	sadd.s32 $0x430, s2;
	s0 =	sadd.s32 s0, s3  }
0xce: {  	[hbm:s2@s6], [sflag:s15] =	dma.strided [hbm:s0@s7], $0x100, s5, $0x10   }
0xcf: {  	_ =	swait.ge [sflag:s15], $0x100  }
0xd0: {  	[sflag:s15] =	ssyncset.done $0x0  }
0xd1: {  	[sflag:s15] =	ssyncadd.s32 $0xFFFFFF00  }
0xd2: {  	_ =	strace $0x90000046  }
0xd3: {  	_ =	sfence  }
0xd4: {  	s28 =	sld [smem:$0x0];
	_ =	sdelay $0x1  }
0xd5: {  	s29 =	srdreg.scid  }
0xd6: {  	s30 =	sshll.u32 s29, $0xD;
	s31 =	sshrl.u32 s29, $0x2  }
0xd7: {  	s1 =	sand.u32 $0x1, s29;
	s2 =	sand.u32 $0x4000, s30;
	s0 =	sadd.s32 s31, s28  }
0xd8: {  	s1 =	sor.u32 s2, s1;
	s0 =	sshll.u32 s0, $0x11  }
0xd9: {  	s0 =	sor.u32 s0, s1  }
0xda: {  	s0 =	sadd.s32 $0x8F2B, s0;
	(pc) =	sbr.abs _section_cstart, $3  }
0xdb: {  	[sflag:s0] =	ssyncadd.remote.s32 $0x1  }
0xdc: {  	_ =	strace $0x9FFFFFFF  }
0xdd: {  	(tm) =	ssettm $0x7FFFFFFF  }

</sc_bundles>
